<compile_context>
chip_gen: v7x
topology: tpu7x:2x2x1
jax: 0.10.2.dev20260603
libtpu: 0.0.44.dev20260713+nightly
codegen_flags: <defaults>
</compile_context>

<pallas_src>
import functools
import math

import jax
import jax.numpy as jnp
from jax import lax
from jax.experimental import pallas as pl
from jax.experimental.pallas import tpu as pltpu

K_TOP = 32
ALPHA = 3.0
EPS = 1e-6

_NT = (((1,), (1,)), ((), ()))


def _prep_body(x_ref, e2_ref, wq_ref, wk_ref, wv_ref, l2w_ref, l2b_ref,
               q_ref, k_ref, v_ref, nv2_ref):
    x = x_ref[...]
    q_ref[...] = lax.dot_general(x, wq_ref[...], _NT,
                                 preferred_element_type=jnp.float32)
    k_ref[...] = lax.dot_general(x, wk_ref[...], _NT,
                                 preferred_element_type=jnp.float32)
    v_ref[...] = lax.dot_general(x, wv_ref[...], _NT,
                                 preferred_element_type=jnp.float32)
    pre2 = lax.dot_general(e2_ref[...], l2w_ref[...], _NT,
                           preferred_element_type=jnp.float32) + l2b_ref[...]
    nv2_ref[...] = jnp.tanh(ALPHA * pre2)


def _attn_body(q_ref, k_ref, v_ref, x_ref, wfc_ref, lnw_ref, lnb_ref,
               l1w_ref, l1b_ref, nv1_ref, *, dk):
    s = lax.dot_general(q_ref[...] * (1.0 / math.sqrt(dk)), k_ref[...], _NT,
                        preferred_element_type=jnp.float32)
    s = jnp.where(s > 0.0, s, jnp.exp(s) - 1.0)
    m = jnp.max(s, axis=1, keepdims=True)
    e = jnp.exp(s - m)
    attn = e / jnp.sum(e, axis=1, keepdims=True)
    out = jnp.dot(attn, v_ref[...], preferred_element_type=jnp.float32)
    out = lax.dot_general(out, wfc_ref[...], _NT,
                          preferred_element_type=jnp.float32) + x_ref[...]
    mu = jnp.mean(out, axis=1, keepdims=True)
    d = out - mu
    var = jnp.mean(d * d, axis=1, keepdims=True)
    ln = d * lax.rsqrt(var + EPS) * lnw_ref[...] + lnb_ref[...]
    pre1 = lax.dot_general(ln, l1w_ref[...], _NT,
                           preferred_element_type=jnp.float32) + l1b_ref[...]
    nv1_ref[...] = jnp.tanh(ALPHA * pre1)


def _adj_body(nv1b_ref, nv2b_ref, nv1_ref, nv2_ref, out_ref):
    a = (lax.dot_general(nv1b_ref[...], nv2_ref[...], _NT,
                         preferred_element_type=jnp.float32)
         - lax.dot_general(nv2b_ref[...], nv1_ref[...], _NT,
                           preferred_element_type=jnp.float32))
    adj = jnp.maximum(jnp.tanh(ALPHA * a), 0.0)
    rows = adj.shape[0]

    def body(it, t):
        bit = 29 - it
        cand = t | lax.shift_left(jnp.int32(1), bit)
        cand_f = lax.bitcast_convert_type(cand, jnp.float32)
        cnt = jnp.sum((adj >= cand_f).astype(jnp.float32), axis=1,
                      keepdims=True)
        return jnp.where(cnt >= float(K_TOP), cand, t)

    t = lax.fori_loop(0, 10, body, jnp.zeros((rows, 1), jnp.int32))
    thr = lax.bitcast_convert_type(t, jnp.float32)
    out_ref[...] = jnp.where(adj >= thr, adj, 0.0)


def kernel(idx, emb1, emb2, wq, wk, wv, wfc, ln_w, ln_b,
           lin1_w, lin1_b, lin2_w, lin2_b):
    n, dim = emb1.shape
    dk = wq.shape[0]
    x = jnp.take(emb1, idx, axis=0)
    e2 = jnp.take(emb2, idx, axis=0)
    lnw2 = ln_w.reshape(1, dim)
    lnb2 = ln_b.reshape(1, dim)
    l1b2 = lin1_b.reshape(1, dim)
    l2b2 = lin2_b.reshape(1, dim)

    f32 = jnp.float32
    q, k, v, nv2 = pl.pallas_call(
        _prep_body,
        out_shape=[
            jax.ShapeDtypeStruct((n, dk), f32),
            jax.ShapeDtypeStruct((n, dk), f32),
            jax.ShapeDtypeStruct((n, dk), f32),
            jax.ShapeDtypeStruct((n, dim), f32),
        ],
    )(x, e2, wq, wk, wv, lin2_w, l2b2)

    rb = min(512, n)
    grid = n // rb
    row_blk = lambda r, c: pl.BlockSpec((r, c), lambda i: (i, 0))
    full = lambda r, c: pl.BlockSpec((r, c), lambda i: (0, 0))

    nv1 = pl.pallas_call(
        functools.partial(_attn_body, dk=dk),
        grid=(grid,),
        in_specs=[
            row_blk(rb, dk),
            full(n, dk),
            full(n, dk),
            row_blk(rb, dim),
            full(dim, dk),
            full(1, dim), full(1, dim),
            full(dim, dim), full(1, dim),
        ],
        out_specs=row_blk(rb, dim),
        out_shape=jax.ShapeDtypeStruct((n, dim), f32),
    )(q, k, v, x, wfc, lnw2, lnb2, lin1_w, l1b2)

    adj = pl.pallas_call(
        _adj_body,
        grid=(grid,),
        in_specs=[
            row_blk(rb, dim),
            row_blk(rb, dim),
            full(n, dim),
            full(n, dim),
        ],
        out_specs=row_blk(rb, n),
        out_shape=jax.ShapeDtypeStruct((n, n), f32),
    )(nv1, nv2, nv1, nv2)
    return adj

# --- scband reference (transcript-rebuilt; emitter-appended) ---
"""Pipeline reference for scband-graph-attention-constructor-37194416783436 (READ-ONLY COPY).

The authoritative reference and input builder live on the scoring server;
editing this copy changes nothing except your own understanding.
"""

import jax, jax.numpy as jnp
import numpy as np

N = 4096
DIM = 256
DK = 40
K = 32
ALPHA = 3.0

def setup_inputs(seed: int = 0) -> dict:
    key = jax.random.key(seed)
    ks = jax.random.split(key, 12)
    s = 0.02
    return {
        'idx': jnp.arange(N, dtype=jnp.int32),
        'emb1': jax.random.normal(ks[0], (N, DIM), dtype=jnp.float32) * s,
        'emb2': jax.random.normal(ks[1], (N, DIM), dtype=jnp.float32) * s,
        'wq': jax.random.normal(ks[2], (DK, DIM), dtype=jnp.float32) * s,
        'wk': jax.random.normal(ks[3], (DK, DIM), dtype=jnp.float32) * s,
        'wv': jax.random.normal(ks[4], (DK, DIM), dtype=jnp.float32) * s,
        'wfc': jax.random.normal(ks[5], (DIM, DK), dtype=jnp.float32) * s,
        'ln_w': jnp.ones((DIM,), dtype=jnp.float32),
        'ln_b': jnp.zeros((DIM,), dtype=jnp.float32),
        'lin1_w': jax.random.normal(ks[6], (DIM, DIM), dtype=jnp.float32) * s,
        'lin1_b': jnp.zeros((DIM,), dtype=jnp.float32),
        'lin2_w': jax.random.normal(ks[7], (DIM, DIM), dtype=jnp.float32) * s,
        'lin2_b': jnp.zeros((DIM,), dtype=jnp.float32),
    }

def reference(idx, emb1, emb2, wq, wk, wv, wfc, ln_w, ln_b, lin1_w, lin1_b, lin2_w, lin2_b):
    x = jnp.take(emb1, idx, axis=0)  # [N, DIM] (emb1(idx))
    residual = x
    # MultiHeadAttention with n_head=1, d_k=d_v=40 (dropout is identity in eval)
    q = x @ wq.T  # [N, DK]
    k_ = x @ wk.T
    v_ = x @ wv.T
    attn = (q / jnp.sqrt(jnp.float32(DK))) @ k_.T  # [N, N]
    attn = jax.nn.elu(attn)
    attn = jax.nn.softmax(attn, axis=-1)
    out = attn @ v_  # [N, DK]
    out = out @ wfc.T  # [N, DIM]
    out = out + residual
    mu = jnp.mean(out, axis=-1, keepdims=True)
    var = jnp.var(out, axis=-1, keepdims=True)
    nv1 = (out - mu) / jnp.sqrt(var + 1e-6) * ln_w + ln_b
    nv2 = jnp.take(emb2, idx, axis=0)
    nv1 = jnp.tanh(ALPHA * (nv1 @ lin1_w.T + lin1_b))
    nv2 = jnp.tanh(ALPHA * (nv2 @ lin2_w.T + lin2_b))
    a = nv1 @ nv2.T - nv2 @ nv1.T
    adj = jax.nn.relu(jnp.tanh(ALPHA * a))
    # top-k masking: keep top K per row
    vals, inds = jax.lax.top_k(adj, K)  # [N, K]
    rows = jnp.arange(N)[:, None]
    mask = jnp.zeros((N, N), dtype=adj.dtype).at[rows, inds].set(1.0)
    adj = adj * mask
    return adj

if __name__ == "__main__":
    import jax
    _d = setup_inputs()
    print(jax.jit(kernel)(*tuple(_d.values())))

</pallas_src>

<mosaic_0001>
module attributes {stable_mosaic.version = 14 : i64} {
  func.func @_prep_body(%arg0: memref<4096x256xf32, #tpu.memory_space<vmem>>, %arg1: memref<4096x256xf32, #tpu.memory_space<vmem>>, %arg2: memref<40x256xf32, #tpu.memory_space<vmem>>, %arg3: memref<40x256xf32, #tpu.memory_space<vmem>>, %arg4: memref<40x256xf32, #tpu.memory_space<vmem>>, %arg5: memref<256x256xf32, #tpu.memory_space<vmem>>, %arg6: memref<1x256xf32, #tpu.memory_space<vmem>>, %arg7: memref<4096x40xf32, #tpu.memory_space<vmem>>, %arg8: memref<4096x40xf32, #tpu.memory_space<vmem>>, %arg9: memref<4096x40xf32, #tpu.memory_space<vmem>>, %arg10: memref<4096x256xf32, #tpu.memory_space<vmem>>) attributes {dimension_semantics = [], scalar_prefetch = 0 : i64, scratch_operands = 0 : i64, tpu.core_type = #tpu.core_type<tc>} {
    %get3A = arith.constant 0 : index
    %get3A_0 = arith.constant 0 : index
    %get3A_1 = vector.load %arg0[%get3A, %get3A_0] : memref<4096x256xf32, #tpu.memory_space<vmem>>, vector<4096x256xf32>
    %get3A_2 = arith.constant 0 : index
    %get3A_3 = arith.constant 0 : index
    %get3A_4 = vector.load %arg2[%get3A_2, %get3A_3] : memref<40x256xf32, #tpu.memory_space<vmem>>, vector<40x256xf32>
    %dot_general3A = arith.constant dense<0.000000e+00> : vector<4096x40xf32>
    %dot_general3A_5 = tpu.matmul %get3A_1, %get3A_4, %dot_general3A {dimension_numbers = #tpu.dot_dimension_numbers<[1], [1], [0], [0], [0, 0, 1, 0], [], []>, transpose_lhs_hint = false} : vector<4096x256xf32>, vector<40x256xf32>, vector<4096x40xf32> -> vector<4096x40xf32>
    %swap3A = arith.constant 0 : index
    %swap3A_6 = arith.constant 0 : index
    %swap3A_7 = vector.load %arg7[%swap3A, %swap3A_6] : memref<4096x40xf32, #tpu.memory_space<vmem>>, vector<4096x40xf32>
    tpu.vector_store %arg7[%swap3A, %swap3A_6], %dot_general3A_5 {strides = array<i32>} : memref<4096x40xf32, #tpu.memory_space<vmem>>, vector<4096x40xf32>,
    %get3A_8 = arith.constant 0 : index
    %get3A_9 = arith.constant 0 : index
    %get3A_10 = vector.load %arg3[%get3A_8, %get3A_9] : memref<40x256xf32, #tpu.memory_space<vmem>>, vector<40x256xf32>
    %dot_general3A_11 = arith.constant dense<0.000000e+00> : vector<4096x40xf32>
    %dot_general3A_12 = tpu.matmul %get3A_1, %get3A_10, %dot_general3A_11 {dimension_numbers = #tpu.dot_dimension_numbers<[1], [1], [0], [0], [0, 0, 1, 0], [], []>, transpose_lhs_hint = false} : vector<4096x256xf32>, vector<40x256xf32>, vector<4096x40xf32> -> vector<4096x40xf32>
    %swap3A_13 = arith.constant 0 : index
    %swap3A_14 = arith.constant 0 : index
    %swap3A_15 = vector.load %arg8[%swap3A_13, %swap3A_14] : memref<4096x40xf32, #tpu.memory_space<vmem>>, vector<4096x40xf32>
    tpu.vector_store %arg8[%swap3A_13, %swap3A_14], %dot_general3A_12 {strides = array<i32>} : memref<4096x40xf32, #tpu.memory_space<vmem>>, vector<4096x40xf32>,
    %get3A_16 = arith.constant 0 : index
    %get3A_17 = arith.constant 0 : index
    %get3A_18 = vector.load %arg4[%get3A_16, %get3A_17] : memref<40x256xf32, #tpu.memory_space<vmem>>, vector<40x256xf32>
    %dot_general3A_19 = arith.constant dense<0.000000e+00> : vector<4096x40xf32>
    %dot_general3A_20 = tpu.matmul %get3A_1, %get3A_18, %dot_general3A_19 {dimension_numbers = #tpu.dot_dimension_numbers<[1], [1], [0], [0], [0, 0, 1, 0], [], []>, transpose_lhs_hint = false} : vector<4096x256xf32>, vector<40x256xf32>, vector<4096x40xf32> -> vector<4096x40xf32>
    %swap3A_21 = arith.constant 0 : index
    %swap3A_22 = arith.constant 0 : index
    %swap3A_23 = vector.load %arg9[%swap3A_21, %swap3A_22] : memref<4096x40xf32, #tpu.memory_space<vmem>>, vector<4096x40xf32>
    tpu.vector_store %arg9[%swap3A_21, %swap3A_22], %dot_general3A_20 {strides = array<i32>} : memref<4096x40xf32, #tpu.memory_space<vmem>>, vector<4096x40xf32>,
    %get3A_24 = arith.constant 0 : index
    %get3A_25 = arith.constant 0 : index
    %get3A_26 = vector.load %arg1[%get3A_24, %get3A_25] : memref<4096x256xf32, #tpu.memory_space<vmem>>, vector<4096x256xf32>
    %get3A_27 = arith.constant 0 : index
    %get3A_28 = arith.constant 0 : index
    %get3A_29 = vector.load %arg5[%get3A_27, %get3A_28] : memref<256x256xf32, #tpu.memory_space<vmem>>, vector<256x256xf32>
    %dot_general3A_30 = arith.constant dense<0.000000e+00> : vector<4096x256xf32>
    %dot_general3A_31 = tpu.matmul %get3A_26, %get3A_29, %dot_general3A_30 {dimension_numbers = #tpu.dot_dimension_numbers<[1], [1], [0], [0], [0, 0, 1, 0], [], []>, transpose_lhs_hint = false} : vector<4096x256xf32>, vector<256x256xf32>, vector<4096x256xf32> -> vector<4096x256xf32>
    %get3A_32 = arith.constant 0 : index
    %get3A_33 = arith.constant 0 : index
    %get3A_34 = vector.load %arg6[%get3A_32, %get3A_33] : memref<1x256xf32, #tpu.memory_space<vmem>>, vector<1x256xf32>
    %add3A = vector.broadcast %get3A_34 : vector<1x256xf32> to vector<4096x256xf32>
    %add3A_35 = arith.addf %dot_general3A_31, %add3A : vector<4096x256xf32>
    %mul3A = arith.constant 3.000000e+00 : f32
    %mul3A_36 = vector.broadcast %mul3A : f32 to vector<4096x256xf32>
    %mul3A_37 = arith.mulf %mul3A_36, %add3A_35 : vector<4096x256xf32>
    %tanh3A = math.tanh %mul3A_37 : vector<4096x256xf32>
    %swap3A_38 = arith.constant 0 : index
    %swap3A_39 = arith.constant 0 : index
    %swap3A_40 = vector.load %arg10[%swap3A_38, %swap3A_39] : memref<4096x256xf32, #tpu.memory_space<vmem>>, vector<4096x256xf32>
    tpu.vector_store %arg10[%swap3A_38, %swap3A_39], %tanh3A {strides = array<i32>} : memref<4096x256xf32, #tpu.memory_space<vmem>>, vector<4096x256xf32>,
    return
  }
}

module attributes {stable_mosaic.version = 14 : i64} {
  func.func @_attn_body(%arg0: i32, %arg1: memref<512x40xf32, #tpu.memory_space<vmem>>, %arg2: memref<4096x40xf32, #tpu.memory_space<vmem>>, %arg3: memref<4096x40xf32, #tpu.memory_space<vmem>>, %arg4: memref<512x256xf32, #tpu.memory_space<vmem>>, %arg5: memref<256x40xf32, #tpu.memory_space<vmem>>, %arg6: memref<1x256xf32, #tpu.memory_space<vmem>>, %arg7: memref<1x256xf32, #tpu.memory_space<vmem>>, %arg8: memref<256x256xf32, #tpu.memory_space<vmem>>, %arg9: memref<1x256xf32, #tpu.memory_space<vmem>>, %arg10: memref<512x256xf32, #tpu.memory_space<vmem>>) attributes {dimension_semantics = [#tpu.dimension_semantics<arbitrary>], iteration_bounds = array<i64: 8>, scalar_prefetch = 0 : i64, scratch_operands = 0 : i64, tpu.core_type = #tpu.core_type<tc>, window_params = [{transform_indices = @transform_0, window_bounds = array<i64: 512, 40>}, {pipeline_mode = #tpu.pipeline_mode<synchronous>, transform_indices = @transform_1, window_bounds = array<i64: 4096, 40>}, {pipeline_mode = #tpu.pipeline_mode<synchronous>, transform_indices = @transform_2, window_bounds = array<i64: 4096, 40>}, {transform_indices = @transform_3, window_bounds = array<i64: 512, 256>}, {pipeline_mode = #tpu.pipeline_mode<synchronous>, transform_indices = @transform_4, window_bounds = array<i64: 256, 40>}, {pipeline_mode = #tpu.pipeline_mode<synchronous>, transform_indices = @transform_5, window_bounds = array<i64: 1, 256>}, {pipeline_mode = #tpu.pipeline_mode<synchronous>, transform_indices = @transform_6, window_bounds = array<i64: 1, 256>}, {pipeline_mode = #tpu.pipeline_mode<synchronous>, transform_indices = @transform_7, window_bounds = array<i64: 256, 256>}, {pipeline_mode = #tpu.pipeline_mode<synchronous>, transform_indices = @transform_8, window_bounds = array<i64: 1, 256>}, {transform_indices = @transform_9, window_bounds = array<i64: 512, 256>}]} {
    %get3A = arith.constant 0 : index
    %get3A_0 = arith.constant 0 : index
    %get3A_1 = vector.load %arg1[%get3A, %get3A_0] : memref<512x40xf32, #tpu.memory_space<vmem>>, vector<512x40xf32>
    %mul3A = arith.constant 0.158113882 : f32
    %mul3A_2 = vector.broadcast %mul3A : f32 to vector<512x40xf32>
    %mul3A_3 = arith.mulf %get3A_1, %mul3A_2 : vector<512x40xf32>
    %get3A_4 = arith.constant 0 : index
    %get3A_5 = arith.constant 0 : index
    %get3A_6 = vector.load %arg2[%get3A_4, %get3A_5] : memref<4096x40xf32, #tpu.memory_space<vmem>>, vector<4096x40xf32>
    %dot_general3A = arith.constant dense<0.000000e+00> : vector<512x4096xf32>
    %dot_general3A_7 = tpu.matmul %mul3A_3, %get3A_6, %dot_general3A {dimension_numbers = #tpu.dot_dimension_numbers<[1], [1], [0], [0], [0, 0, 1, 0], [], []>, transpose_lhs_hint = false} : vector<512x40xf32>, vector<4096x40xf32>, vector<512x4096xf32> -> vector<512x4096xf32>
    %gt3A = arith.constant 0.000000e+00 : f32
    %gt3A_8 = vector.broadcast %gt3A : f32 to vector<512x4096xf32>
    %gt3A_9 = arith.cmpf ogt, %dot_general3A_7, %gt3A_8 : vector<512x4096xf32>
    %exp3A = math.exp %dot_general3A_7 : vector<512x4096xf32>
    %sub3A = arith.constant 1.000000e+00 : f32
    %sub3A_10 = vector.broadcast %sub3A : f32 to vector<512x4096xf32>
    %sub3A_11 = arith.subf %exp3A, %sub3A_10 : vector<512x4096xf32>
    %select_n3A = arith.select %gt3A_9, %dot_general3A_7, %sub3A_11 : vector<512x4096xi1>, vector<512x4096xf32>
    %reduce_max3A = arith.constant dense<0xFF800000> : vector<512xf32>
    %reduce_max3A_12 = vector.multi_reduction <maximumf>, %select_n3A, %reduce_max3A [1] : vector<512x4096xf32> to vector<512xf32>
    %broadcast_in_dim3A = vector.shape_cast %reduce_max3A_12 : vector<512xf32> to vector<512x1xf32>
    %sub3A_13 = vector.broadcast %broadcast_in_dim3A : vector<512x1xf32> to vector<512x4096xf32>
    %sub3A_14 = arith.subf %select_n3A, %sub3A_13 : vector<512x4096xf32>
    %exp3A_15 = math.exp %sub3A_14 : vector<512x4096xf32>
    %reduce_sum3A = arith.constant dense<0.000000e+00> : vector<512xf32>
    %reduce_sum3A_16 = vector.multi_reduction <add>, %exp3A_15, %reduce_sum3A [1] : vector<512x4096xf32> to vector<512xf32>
    %broadcast_in_dim3A_17 = vector.shape_cast %reduce_sum3A_16 : vector<512xf32> to vector<512x1xf32>
    %div3A = vector.broadcast %broadcast_in_dim3A_17 : vector<512x1xf32> to vector<512x4096xf32>
    %div3A_18 = arith.divf %exp3A_15, %div3A : vector<512x4096xf32>
    %get3A_19 = arith.constant 0 : index
    %get3A_20 = arith.constant 0 : index
    %get3A_21 = vector.load %arg3[%get3A_19, %get3A_20] : memref<4096x40xf32, #tpu.memory_space<vmem>>, vector<4096x40xf32>
    %dot_general3A_22 = arith.constant dense<0.000000e+00> : vector<512x40xf32>
    %dot_general3A_23 = tpu.matmul %div3A_18, %get3A_21, %dot_general3A_22 {dimension_numbers = #tpu.dot_dimension_numbers<[1], [0], [0], [1], [0, 0, 1, 1], [], []>, transpose_lhs_hint = false} : vector<512x4096xf32>, vector<4096x40xf32>, vector<512x40xf32> -> vector<512x40xf32>
    %get3A_24 = arith.constant 0 : index
    %get3A_25 = arith.constant 0 : index
    %get3A_26 = vector.load %arg5[%get3A_24, %get3A_25] : memref<256x40xf32, #tpu.memory_space<vmem>>, vector<256x40xf32>
    %dot_general3A_27 = arith.constant dense<0.000000e+00> : vector<512x256xf32>
    %dot_general3A_28 = tpu.matmul %dot_general3A_23, %get3A_26, %dot_general3A_27 {dimension_numbers = #tpu.dot_dimension_numbers<[1], [1], [0], [0], [0, 0, 1, 0], [], []>, transpose_lhs_hint = false} : vector<512x40xf32>, vector<256x40xf32>, vector<512x256xf32> -> vector<512x256xf32>
    %get3A_29 = arith.constant 0 : index
    %get3A_30 = arith.constant 0 : index
    %get3A_31 = vector.load %arg4[%get3A_29, %get3A_30] : memref<512x256xf32, #tpu.memory_space<vmem>>, vector<512x256xf32>
    %add3A = arith.addf %dot_general3A_28, %get3A_31 : vector<512x256xf32>
    %reduce_sum3A_32 = arith.constant dense<0.000000e+00> : vector<512xf32>
    %reduce_sum3A_33 = vector.multi_reduction <add>, %add3A, %reduce_sum3A_32 [1] : vector<512x256xf32> to vector<512xf32>
    %broadcast_in_dim3A_34 = vector.shape_cast %reduce_sum3A_33 : vector<512xf32> to vector<512x1xf32>
    %div3A_35 = arith.constant 2.560000e+02 : f32
    %div3A_36 = vector.broadcast %div3A_35 : f32 to vector<512x1xf32>
    %div3A_37 = arith.divf %broadcast_in_dim3A_34, %div3A_36 : vector<512x1xf32>
    %sub3A_38 = vector.broadcast %div3A_37 : vector<512x1xf32> to vector<512x256xf32>
    %sub3A_39 = arith.subf %add3A, %sub3A_38 : vector<512x256xf32>
    %mul3A_40 = arith.mulf %sub3A_39, %sub3A_39 : vector<512x256xf32>
    %reduce_sum3A_41 = arith.constant dense<0.000000e+00> : vector<512xf32>
    %reduce_sum3A_42 = vector.multi_reduction <add>, %mul3A_40, %reduce_sum3A_41 [1] : vector<512x256xf32> to vector<512xf32>
    %broadcast_in_dim3A_43 = vector.shape_cast %reduce_sum3A_42 : vector<512xf32> to vector<512x1xf32>
    %div3A_44 = arith.constant 2.560000e+02 : f32
    %div3A_45 = vector.broadcast %div3A_44 : f32 to vector<512x1xf32>
    %div3A_46 = arith.divf %broadcast_in_dim3A_43, %div3A_45 : vector<512x1xf32>
    %add3A_47 = arith.constant 9.99999997E-7 : f32
    %add3A_48 = vector.broadcast %add3A_47 : f32 to vector<512x1xf32>
    %add3A_49 = arith.addf %div3A_46, %add3A_48 : vector<512x1xf32>
    %rsqrt3A = math.rsqrt %add3A_49 : vector<512x1xf32>
    %mul3A_50 = vector.broadcast %rsqrt3A : vector<512x1xf32> to vector<512x256xf32>
    %mul3A_51 = arith.mulf %sub3A_39, %mul3A_50 : vector<512x256xf32>
    %get3A_52 = arith.constant 0 : index
    %get3A_53 = arith.constant 0 : index
    %get3A_54 = vector.load %arg6[%get3A_52, %get3A_53] : memref<1x256xf32, #tpu.memory_space<vmem>>, vector<1x256xf32>
    %mul3A_55 = vector.broadcast %get3A_54 : vector<1x256xf32> to vector<512x256xf32>
    %mul3A_56 = arith.mulf %mul3A_51, %mul3A_55 : vector<512x256xf32>
    %get3A_57 = arith.constant 0 : index
    %get3A_58 = arith.constant 0 : index
    %get3A_59 = vector.load %arg7[%get3A_57, %get3A_58] : memref<1x256xf32, #tpu.memory_space<vmem>>, vector<1x256xf32>
    %add3A_60 = vector.broadcast %get3A_59 : vector<1x256xf32> to vector<512x256xf32>
    %add3A_61 = arith.addf %mul3A_56, %add3A_60 : vector<512x256xf32>
    %get3A_62 = arith.constant 0 : index
    %get3A_63 = arith.constant 0 : index
    %get3A_64 = vector.load %arg8[%get3A_62, %get3A_63] : memref<256x256xf32, #tpu.memory_space<vmem>>, vector<256x256xf32>
    %dot_general3A_65 = arith.constant dense<0.000000e+00> : vector<512x256xf32>
    %dot_general3A_66 = tpu.matmul %add3A_61, %get3A_64, %dot_general3A_65 {dimension_numbers = #tpu.dot_dimension_numbers<[1], [1], [0], [0], [0, 0, 1, 0], [], []>, transpose_lhs_hint = false} : vector<512x256xf32>, vector<256x256xf32>, vector<512x256xf32> -> vector<512x256xf32>
    %get3A_67 = arith.constant 0 : index
    %get3A_68 = arith.constant 0 : index
    %get3A_69 = vector.load %arg9[%get3A_67, %get3A_68] : memref<1x256xf32, #tpu.memory_space<vmem>>, vector<1x256xf32>
    %add3A_70 = vector.broadcast %get3A_69 : vector<1x256xf32> to vector<512x256xf32>
    %add3A_71 = arith.addf %dot_general3A_66, %add3A_70 : vector<512x256xf32>
    %mul3A_72 = arith.constant 3.000000e+00 : f32
    %mul3A_73 = vector.broadcast %mul3A_72 : f32 to vector<512x256xf32>
    %mul3A_74 = arith.mulf %mul3A_73, %add3A_71 : vector<512x256xf32>
    %tanh3A = math.tanh %mul3A_74 : vector<512x256xf32>
    %swap3A = arith.constant 0 : index
    %swap3A_75 = arith.constant 0 : index
    %swap3A_76 = vector.load %arg10[%swap3A, %swap3A_75] : memref<512x256xf32, #tpu.memory_space<vmem>>, vector<512x256xf32>
    tpu.vector_store %arg10[%swap3A, %swap3A_75], %tanh3A {strides = array<i32>} : memref<512x256xf32, #tpu.memory_space<vmem>>, vector<512x256xf32>,
    return
  }
  func.func @transform_0(%arg0: i32) -> (i32, i32) {
    %c0_i32 = arith.constant 0 : i32
    %c0_i32_0 = arith.constant 0 : i32
    return %arg0, %c0_i32 : i32, i32
  }
  func.func @transform_1(%arg0: i32) -> (i32, i32) {
    %c0_i32 = arith.constant 0 : i32
    %c0_i32_0 = arith.constant 0 : i32
    %c0_i32_1 = arith.constant 0 : i32
    return %c0_i32, %c0_i32_0 : i32, i32
  }
  func.func @transform_2(%arg0: i32) -> (i32, i32) {
    %c0_i32 = arith.constant 0 : i32
    %c0_i32_0 = arith.constant 0 : i32
    %c0_i32_1 = arith.constant 0 : i32
    return %c0_i32, %c0_i32_0 : i32, i32
  }
  func.func @transform_3(%arg0: i32) -> (i32, i32) {
    %c0_i32 = arith.constant 0 : i32
    %c0_i32_0 = arith.constant 0 : i32
    return %arg0, %c0_i32 : i32, i32
  }
  func.func @transform_4(%arg0: i32) -> (i32, i32) {
    %c0_i32 = arith.constant 0 : i32
    %c0_i32_0 = arith.constant 0 : i32
    %c0_i32_1 = arith.constant 0 : i32
    return %c0_i32, %c0_i32_0 : i32, i32
  }
  func.func @transform_5(%arg0: i32) -> (i32, i32) {
    %c0_i32 = arith.constant 0 : i32
    %c0_i32_0 = arith.constant 0 : i32
    %c0_i32_1 = arith.constant 0 : i32
    return %c0_i32, %c0_i32_0 : i32, i32
  }
  func.func @transform_6(%arg0: i32) -> (i32, i32) {
    %c0_i32 = arith.constant 0 : i32
    %c0_i32_0 = arith.constant 0 : i32
    %c0_i32_1 = arith.constant 0 : i32
    return %c0_i32, %c0_i32_0 : i32, i32
  }
  func.func @transform_7(%arg0: i32) -> (i32, i32) {
    %c0_i32 = arith.constant 0 : i32
    %c0_i32_0 = arith.constant 0 : i32
    %c0_i32_1 = arith.constant 0 : i32
    return %c0_i32, %c0_i32_0 : i32, i32
  }
  func.func @transform_8(%arg0: i32) -> (i32, i32) {
    %c0_i32 = arith.constant 0 : i32
    %c0_i32_0 = arith.constant 0 : i32
    %c0_i32_1 = arith.constant 0 : i32
    return %c0_i32, %c0_i32_0 : i32, i32
  }
  func.func @transform_9(%arg0: i32) -> (i32, i32) {
    %c0_i32 = arith.constant 0 : i32
    %c0_i32_0 = arith.constant 0 : i32
    return %arg0, %c0_i32 : i32, i32
  }
}

module attributes {stable_mosaic.version = 14 : i64} {
  func.func @_adj_body(%arg0: i32, %arg1: memref<512x256xf32, #tpu.memory_space<vmem>>, %arg2: memref<512x256xf32, #tpu.memory_space<vmem>>, %arg3: memref<4096x256xf32, #tpu.memory_space<vmem>>, %arg4: memref<4096x256xf32, #tpu.memory_space<vmem>>, %arg5: memref<512x4096xf32, #tpu.memory_space<vmem>>) attributes {dimension_semantics = [#tpu.dimension_semantics<arbitrary>], iteration_bounds = array<i64: 8>, scalar_prefetch = 0 : i64, scratch_operands = 0 : i64, tpu.core_type = #tpu.core_type<tc>, window_params = [{transform_indices = @transform_0, window_bounds = array<i64: 512, 256>}, {transform_indices = @transform_1, window_bounds = array<i64: 512, 256>}, {pipeline_mode = #tpu.pipeline_mode<synchronous>, transform_indices = @transform_2, window_bounds = array<i64: 4096, 256>}, {pipeline_mode = #tpu.pipeline_mode<synchronous>, transform_indices = @transform_3, window_bounds = array<i64: 4096, 256>}, {transform_indices = @transform_4, window_bounds = array<i64: 512, 4096>}]} {
    %get3A = arith.constant 0 : index
    %get3A_0 = arith.constant 0 : index
    %get3A_1 = vector.load %arg1[%get3A, %get3A_0] : memref<512x256xf32, #tpu.memory_space<vmem>>, vector<512x256xf32>
    %get3A_2 = arith.constant 0 : index
    %get3A_3 = arith.constant 0 : index
    %get3A_4 = vector.load %arg4[%get3A_2, %get3A_3] : memref<4096x256xf32, #tpu.memory_space<vmem>>, vector<4096x256xf32>
    %dot_general3A = arith.constant dense<0.000000e+00> : vector<512x4096xf32>
    %dot_general3A_5 = tpu.matmul %get3A_1, %get3A_4, %dot_general3A {dimension_numbers = #tpu.dot_dimension_numbers<[1], [1], [0], [0], [0, 0, 1, 0], [], []>, transpose_lhs_hint = false} : vector<512x256xf32>, vector<4096x256xf32>, vector<512x4096xf32> -> vector<512x4096xf32>
    %get3A_6 = arith.constant 0 : index
    %get3A_7 = arith.constant 0 : index
    %get3A_8 = vector.load %arg2[%get3A_6, %get3A_7] : memref<512x256xf32, #tpu.memory_space<vmem>>, vector<512x256xf32>
    %get3A_9 = arith.constant 0 : index
    %get3A_10 = arith.constant 0 : index
    %get3A_11 = vector.load %arg3[%get3A_9, %get3A_10] : memref<4096x256xf32, #tpu.memory_space<vmem>>, vector<4096x256xf32>
    %dot_general3A_12 = arith.constant dense<0.000000e+00> : vector<512x4096xf32>
    %dot_general3A_13 = tpu.matmul %get3A_8, %get3A_11, %dot_general3A_12 {dimension_numbers = #tpu.dot_dimension_numbers<[1], [1], [0], [0], [0, 0, 1, 0], [], []>, transpose_lhs_hint = false} : vector<512x256xf32>, vector<4096x256xf32>, vector<512x4096xf32> -> vector<512x4096xf32>
    %sub3A = arith.subf %dot_general3A_5, %dot_general3A_13 : vector<512x4096xf32>
    %mul3A = arith.constant 3.000000e+00 : f32
    %mul3A_14 = vector.broadcast %mul3A : f32 to vector<512x4096xf32>
    %mul3A_15 = arith.mulf %mul3A_14, %sub3A : vector<512x4096xf32>
    %tanh3A = math.tanh %mul3A_15 : vector<512x4096xf32>
    %max3A = arith.constant 0.000000e+00 : f32
    %max3A_16 = vector.broadcast %max3A : f32 to vector<512x4096xf32>
    %max3A_17 = arith.maximumf %tanh3A, %max3A_16 : vector<512x4096xf32>
    %broadcast_in_dim3A = arith.constant 0 : i32
    %broadcast_in_dim3A_18 = vector.broadcast %broadcast_in_dim3A : i32 to vector<512x1xi32>
    %scan3A = arith.constant 0 : i32
    %scan3A_19 = arith.constant 10 : i32
    %scan3A_20 = arith.addi %scan3A, %scan3A_19 : i32
    %scan3A_21 = arith.constant 1 : i32
    %scan3A_22 = scf.for %scan3A_28 = %scan3A to %scan3A_20 step %scan3A_21 iter_args(%scan3A_29 = %broadcast_in_dim3A_18) -> (vector<512x1xi32>)  : i32 {
      %sub3A_30 = arith.constant 29 : i32
      %sub3A_31 = arith.subi %sub3A_30, %scan3A_28 : i32
      %shift_left3A = arith.constant 1 : i32
      %shift_left3A_32 = arith.shli %shift_left3A, %sub3A_31 : i32
      %or3A = vector.broadcast %shift_left3A_32 : i32 to vector<512x1xi32>
      %or3A_33 = arith.ori %scan3A_29, %or3A : vector<512x1xi32>
      %bitcast_convert_type3A_34 = tpu.bitcast %or3A_33 : vector<512x1xi32> -> vector<512x1xf32>
      %ge3A_35 = vector.broadcast %bitcast_convert_type3A_34 : vector<512x1xf32> to vector<512x4096xf32>
      %ge3A_36 = arith.cmpf oge, %max3A_17, %ge3A_35 : vector<512x4096xf32>
      %convert_element_type3A = arith.extui %ge3A_36 : vector<512x4096xi1> to vector<512x4096xi32>
      %convert_element_type3A_37 = arith.sitofp %convert_element_type3A : vector<512x4096xi32> to vector<512x4096xf32>
      %reduce_sum3A = arith.constant dense<0.000000e+00> : vector<512xf32>
      %reduce_sum3A_38 = vector.multi_reduction <add>, %convert_element_type3A_37, %reduce_sum3A [1] : vector<512x4096xf32> to vector<512xf32>
      %broadcast_in_dim3A_39 = vector.shape_cast %reduce_sum3A_38 : vector<512xf32> to vector<512x1xf32>
      %ge3A_40 = arith.constant 3.200000e+01 : f32
      %ge3A_41 = vector.broadcast %ge3A_40 : f32 to vector<512x1xf32>
      %ge3A_42 = arith.cmpf oge, %broadcast_in_dim3A_39, %ge3A_41 : vector<512x1xf32>
      %select_n3A_43 = arith.select %ge3A_42, %or3A_33, %scan3A_29 : vector<512x1xi1>, vector<512x1xi32>
      scf.yield %select_n3A_43 : vector<512x1xi32>
    }
    %scan3A_23 = arith.constant 10 : i32
    %bitcast_convert_type3A = tpu.bitcast %scan3A_22 : vector<512x1xi32> -> vector<512x1xf32>
    %ge3A = vector.broadcast %bitcast_convert_type3A : vector<512x1xf32> to vector<512x4096xf32>
    %ge3A_24 = arith.cmpf oge, %max3A_17, %ge3A : vector<512x4096xf32>
    %jit3A = arith.constant 0.000000e+00 : f32
    %broadcast_in_dim3A_25 = vector.broadcast %jit3A : f32 to vector<512x4096xf32>
    %select_n3A = arith.select %ge3A_24, %max3A_17, %broadcast_in_dim3A_25 : vector<512x4096xi1>, vector<512x4096xf32>
    %swap3A = arith.constant 0 : index
    %swap3A_26 = arith.constant 0 : index
    %swap3A_27 = vector.load %arg5[%swap3A, %swap3A_26] : memref<512x4096xf32, #tpu.memory_space<vmem>>, vector<512x4096xf32>
    tpu.vector_store %arg5[%swap3A, %swap3A_26], %select_n3A {strides = array<i32>} : memref<512x4096xf32, #tpu.memory_space<vmem>>, vector<512x4096xf32>,
    return
  }
  func.func @transform_0(%arg0: i32) -> (i32, i32) {
    %c0_i32 = arith.constant 0 : i32
    %c0_i32_0 = arith.constant 0 : i32
    return %arg0, %c0_i32 : i32, i32
  }
  func.func @transform_1(%arg0: i32) -> (i32, i32) {
    %c0_i32 = arith.constant 0 : i32
    %c0_i32_0 = arith.constant 0 : i32
    return %arg0, %c0_i32 : i32, i32
  }
  func.func @transform_2(%arg0: i32) -> (i32, i32) {
    %c0_i32 = arith.constant 0 : i32
    %c0_i32_0 = arith.constant 0 : i32
    %c0_i32_1 = arith.constant 0 : i32
    return %c0_i32, %c0_i32_0 : i32, i32
  }
  func.func @transform_3(%arg0: i32) -> (i32, i32) {
    %c0_i32 = arith.constant 0 : i32
    %c0_i32_0 = arith.constant 0 : i32
    %c0_i32_1 = arith.constant 0 : i32
    return %c0_i32, %c0_i32_0 : i32, i32
  }
  func.func @transform_4(%arg0: i32) -> (i32, i32) {
    %c0_i32 = arith.constant 0 : i32
    %c0_i32_0 = arith.constant 0 : i32
    return %arg0, %c0_i32 : i32, i32
  }
}

</mosaic_0001>

<sc_bundles>
// kernel: gather_offload_async_start.1
scs
__scs_entry_jumppad:
0x0: {  	(pc) =	sbr.rel $0x88, $3  }
0x1: {  	(tag) =	ssettag $0x0;
	lr =	simm.s32 $0x1  }
0x2: {  	[smem:$0x3F94] =	sst lr;
	_ =	strace $0xD0000000  }
0x3: {  	_ = 	snop  }
0x4: {  	_ = 	snop  }
0x5: {  	_ = 	snop  }
0x6: {  	_ = 	snop  }
0x7: {  	_ = 	snop  }
__scs_overlays_trampoline_lowered:
0x8: {  	[smem:$0x3FA3] =	sst s0  }
0x9: {  	[smem:$0x3FA4] =	sst s1  }
0xa: {  	[smem:$0x3FA5] =	sst s2  }
0xb: {  	[smem:$0x3FA6] =	sst s3  }
0xc: {  	[smem:$0x3FA7] =	sst s4  }
0xd: {  	[smem:$0x3FA8] =	sst s5  }
0xe: {  	[smem:$0x3FA9] =	sst s6  }
0xf: {  	[smem:$0x3FAA] =	sst s7  }
0x10: {  	[smem:$0x3FAB] =	sst s8  }
0x11: {  	[smem:$0x3FAC] =	sst s9;
	s0 =	simm.s32 @!p0 $0x0  }
0x12: {  	s1 =	sld [smem:$0x3F92];
	s0 =	simm.s32 @p0 $0x1  }
0x13: {  	[smem:$0x3FAD] =	sst s0;
	s0 =	simm.s32 @!p1 $0x0  }
0x14: {  	s2 =	sld [smem:$0x3F91];
	s0 =	simm.s32 @p1 $0x1  }
0x15: {  	[smem:$0x3FAE] =	sst s0;
	s0 =	simm.s32 @!p2 $0x0  }
0x16: {  	s3 =	sld [smem:$0x3FDB];
	s0 =	simm.s32 @p2 $0x1  }
0x17: {  	s4 =	simm.s32 $0x1BF5;
	[smem:$0x3FB0] =	sst s0  }
0x18: {  	s0 =	sld [smem:$0x3F93];
	_ =	swait.ge [sflag:s4], $0x0  }
0x19: {  	s7 =	sld [smem:$0x3F94]  }
0x1a: {  	s8 =	sadd.s32 $0xFFFFE003, lr  }
0x1b: {  	s9 =	sadd.s32 $0xFFFFFEF7, lr;
	s5 =	simm.s32 $0xFFFFFFFF;
	p2 =	slt.u32 s8, $0xFFFFF086  }
0x1c: {  	p1 =	slt.u32 s9, $0xF7A;
	s5 =	simm.s32 @!p2 $0x0  }
0x1d: {  	s5 =	simm.s32 @p1 $0x1;
	p0 =	seq.s32 s7, s2  }
0x1e: {  	s7 =	smul.u32 @!p0 $0xF7A, s2;
	p2 =	seq.s32 @!p0 s5, $0x0  }
0x1f: {  	s9 =	smul.u32 $0xF7A, s1;
	s8 =	simm.s32 @!p0 $0x1BF5;
	p2 =	por !p2, p0  }
0x20: {  	[sflag:s8] =	ssyncset.s32 @!p0 $0xFFFFF086;
	s6 =	sadd.s32 @!p0 s3, s7;
	s7 =	simm.s32 @!p0 $0x108  }
0x21: {  	s3 =	sadd.s32 s3, s9;
	s6 =	sadd.s32 @!p0 $0x88, s6;
	s7 =	simm.s32 @p2 $0x1082  }
0x22: {  	[simem:s7], [sflag:s8] =	dma.local @!p0 [hbm:s6], $0xF7A  }
0x23: {  	s9 =	sor.u32 $0xD0000000, s2;
	s6 =	simm.s32 $0x108;
	_ =	swait.ge @!p0 [sflag:s8], $0x0  }
0x24: {  	s3 =	sadd.s32 $0x88, s3;
	s6 =	simm.s32 @!p1 $0x1082;
	[sflag:s4] =	ssyncset.s32 $0xFFFFF086  }
0x25: {  	[simem:s6], [sflag:s4] =	dma.local [hbm:s3], $0xF7A  }
0x26: {  	[smem:$0x3F94] =	sst s1;
	(tag) =	ssettag s2;
	_ =	strace s9  }
0x27: {  	s1 =	sld [smem:$0x3FA4]  }
0x28: {  	s2 =	sld [smem:$0x3FA5]  }
0x29: {  	s4 =	sld [smem:$0x3FA7]  }
0x2a: {  	p0 =	seq.s32 s5, $0x0;
	s5 =	sld [smem:$0x3FA8]  }
0x2b: {  	s6 =	sld [smem:$0x3FA9]  }
0x2c: {  	s7 =	sld [smem:$0x3FAA]  }
0x2d: {  	s3 =	simm.s32 $0x108;
	s8 =	sld [smem:$0x3FAB]  }
0x2e: {  	s3 =	simm.s32 @!p0 $0x1082;
	s9 =	sld [smem:$0x3FAC]  }
0x2f: {  	lr =	sadd.s32 s0, s3;
	s0 =	sld [smem:$0x3FA3]  }
0x30: {  	s3 =	sld [smem:$0x3FA6]  }
0x31: {  	[smem:$0x3FAF] =	sst s10  }
0x32: {  	s10 =	sld [smem:$0x3FAD];
	_ =	sdelay $0x3  }
0x33: {  	p0 =	seq.s32 s10, $0x1;
	s10 =	sld [smem:$0x3FAF];
	_ =	sdelay $0x3  }
0x34: {  	[smem:$0x3FAF] =	sst s10  }
0x35: {  	s10 =	sld [smem:$0x3FAE];
	_ =	sdelay $0x3  }
0x36: {  	p1 =	seq.s32 s10, $0x1;
	s10 =	sld [smem:$0x3FAF];
	_ =	sdelay $0x3  }
0x37: {  	[smem:$0x3FAF] =	sst s10  }
0x38: {  	s10 =	sld [smem:$0x3FB0]  }
0x39: {  	_ = 	snop;
	(pc) =	sbr.ind lr, $3  }
0x3a: {  	_ = 	snop  }
0x3b: {  	_ = 	snop  }
0x3c: {  	p2 =	seq.s32 s10, $0x1;
	s10 =	sld [smem:$0x3FAF]  }
0x3d: {  	_ =	shalt  }
0x3e: {  	_ =	shalt  }
0x3f: {  	_ =	shalt  }
0x40: {  	_ =	shalt  }
0x41: {  	_ =	shalt  }
0x42: {  	_ =	shalt  }
0x43: {  	_ =	shalt  }
0x44: {  	_ =	shalt  }
0x45: {  	_ =	shalt  }
0x46: {  	_ =	shalt  }
0x47: {  	_ =	shalt  }
0x48: {  	_ =	shalt  }
0x49: {  	_ =	shalt  }
0x4a: {  	_ =	shalt  }
0x4b: {  	_ =	shalt  }
0x4c: {  	_ =	shalt  }
0x4d: {  	_ =	shalt  }
0x4e: {  	_ =	shalt  }
0x4f: {  	_ =	shalt  }
0x50: {  	_ =	shalt  }
0x51: {  	_ =	shalt  }
0x52: {  	_ =	shalt  }
0x53: {  	_ =	shalt  }
0x54: {  	_ =	shalt  }
0x55: {  	_ =	shalt  }
0x56: {  	_ =	shalt  }
0x57: {  	_ =	shalt  }
0x58: {  	_ =	shalt  }
0x59: {  	_ =	shalt  }
0x5a: {  	_ =	shalt  }
0x5b: {  	_ =	shalt  }
0x5c: {  	_ =	shalt  }
0x5d: {  	_ =	shalt  }
0x5e: {  	_ =	shalt  }
0x5f: {  	_ =	shalt  }
0x60: {  	_ =	shalt  }
0x61: {  	_ =	shalt  }
0x62: {  	_ =	shalt  }
0x63: {  	_ =	shalt  }
0x64: {  	_ =	shalt  }
0x65: {  	_ =	shalt  }
0x66: {  	_ =	shalt  }
0x67: {  	_ =	shalt  }
0x68: {  	_ =	shalt  }
0x69: {  	_ =	shalt  }
0x6a: {  	_ =	shalt  }
0x6b: {  	_ =	shalt  }
0x6c: {  	_ =	shalt  }
0x6d: {  	_ =	shalt  }
0x6e: {  	_ =	shalt  }
0x6f: {  	_ =	shalt  }
0x70: {  	_ =	shalt  }
0x71: {  	_ =	shalt  }
0x72: {  	_ =	shalt  }
0x73: {  	_ =	shalt  }
0x74: {  	_ =	shalt  }
0x75: {  	_ =	shalt  }
0x76: {  	_ =	shalt  }
0x77: {  	_ =	shalt  }
0x78: {  	_ =	shalt  }
0x79: {  	_ =	shalt  }
0x7a: {  	_ =	shalt  }
0x7b: {  	_ =	shalt  }
0x7c: {  	_ =	shalt  }
0x7d: {  	_ =	shalt  }
0x7e: {  	_ =	shalt  }
0x7f: {  	_ =	shalt  }
0x80: {  	_ =	shalt  }
0x81: {  	_ =	shalt  }
0x82: {  	_ =	shalt  }
0x83: {  	_ =	shalt  }
0x84: {  	_ =	shalt  }
0x85: {  	_ =	shalt  }
0x86: {  	_ =	shalt  }
0x87: {  	_ =	shalt  }
.Lfunc_end0:
.L_simem_size_0:
called_computation.1_lowered:
.L_overlay_start_0:
0x88: {  	s2 =	sld [smem:$0x3FD9]  }
0x89: {  	s3 =	sld [smem:$0x3FFE];
	_ =	sdelay $0x1  }
0x8a: {  	s1 =	srdreg.scid  }
0x8b: {  	s0 =	sand.u32 $0x1, s1  }
0x8c: {  	s17 =	sshll.u32 s0, $0xA;
	s2 =	sadd.s32 s3, s2  }
0x8d: {  	s2 =	sadd.s32 s2, s17  }
0x8e: {  	[smem:$0x3FBB] =	sst s2  }
0x8f: {  	_ = 	snop  }
0x90: {  	s2 =	sld [smem:$0x3FC7];
	(tm) =	ssettm $0x1  }
0x91: {  	s18 =	sld [smem:$0x3FFB];
	_ =	sdelay $0x3  }
0x92: {  	_ =	strace s18  }
0x93: {  	s3 =	sld [smem:$0x3FFC];
	_ =	sdelay $0x3  }
0x94: {  	_ =	strace s3  }
0x95: {  	s3 =	sld [smem:$0x3FFD];
	_ =	sdelay $0x3  }
0x96: {  	_ =	strace s3  }
0x97: {  	_ =	strace $0x8FFFFFFF  }
0x98: {  	s19 =	sld [smem:$0x3FDB];
	_ =	sdelay $0x1  }
0x99: {  	s4 =	simm.s32 $_scs_section_size  }
0x9a: {  	s5 =	simm.s32 $_size__tile_overlayer_lowered;
	s6 =	simm.s32 $_tile_overlayer_lowered  }
0x9b: {  	s22 =	simm.s32 $0x1BFF;
	s21 =	sshll.u32 s6, $0x1;
	s3 =	sadd.s32 s4, s19  }
0x9c: {  	s7 =	simm.s32 $0x0;
	s20 =	sshll.u32 s5, $0x1;
	s5 =	sadd.s32 s21, s3  }
0x9d: {  	[timem:s7], [sflag:s22] =	dma.local [hbm:s5], s20  }
0x9e: {  	_ =	swait.ge [sflag:s22], s20  }
0x9f: {  	s4 =	ssub.s32 $0x0, s20;
	[sflag:s22] =	ssyncset.done $0x0  }
0xa0: {  	[sflag:s22] =	ssyncadd.s32 s4;
	_ =	sdelay $0x1  }
0xa1: {  	s23 =	simm.s32 $0x1B8B  }
0xa2: {  	_ =	swait.ge [sflag:s23], $0x1  }
0xa3: {  	[sflag:s23] =	ssyncset.done $0x0  }
0xa4: {  	s25 =	simm.s32 $0x1B8E;
	s24 =	sld [smem:$0x3FFE];
	[sflag:s23] =	ssyncadd.s32 $0xFFFFFFFF  }
0xa5: {  	s26 =	simm.s32 $execute0_lowered;
	[smem:$0x3FD2] =	sst s25  }
0xa6: {  	s5 =	sshll.u32 s26, $0x1;
	_ =	strace $0x80000046;
	[dreg:$0x1] =	wrdreg $0xFFFFFFFF  }
0xa7: {  	s28 =	simm.s32 $_size_execute0_lowered;
	s3 =	sadd.s32 s3, s5;
	[dreg:$0x0] =	wrdreg $0x0  }
0xa8: {  	s5 =	sshll.u32 s28, $0x1;
	[dreg:$0x2] =	wrdreg s3  }
0xa9: {  	[dreg:$0x3] =	wrdreg s5  }
0xaa: {  	[dreg:$0x4] =	wrdreg $0xC0  }
0xab: {  	_ =	task [dreg:s7], $0x5FFFF  }
0xac: {  	[dreg:$0x1] =	wrdreg $0xFFFFFFFF  }
0xad: {  	[dreg:$0x0] =	wrdreg $0x60  }
0xae: {  	[dreg:$0x2] =	wrdreg s2  }
0xaf: {  	[dreg:$0x3] =	wrdreg s24  }
0xb0: {  	[dreg:$0x4] =	wrdreg $0xA  }
0xb1: {  	_ =	task.clear_ibuf [dreg:s7], $0x5FFFF;
	_ =	strace $0x90000046  }
0xb2: {  	s29 =	simm.s32 $0xA;
	_ =	strace $0x80000048  }
0xb3: {  	_ =	swait.ge [sflag:s29], $0x1  }
0xb4: {  	[sflag:s29] =	ssyncadd.s32 $0xFFFFFFFF  }
0xb5: {  	_ =	strace $0x90000048  }
0xb6: {  	_ =	sfence  }
0xb7: {  	s30 =	sld [smem:$0x0];
	_ =	sdelay $0x2  }
0xb8: {  	s31 =	sshll.u32 s1, $0xD;
	s1 =	sshrl.u32 s1, $0x2  }
0xb9: {  	s3 =	sand.u32 $0x4000, s31;
	s1 =	sadd.s32 s1, s30  }
0xba: {  	s0 =	sor.u32 s3, s0;
	s1 =	sshll.u32 s1, $0x11  }
0xbb: {  	s0 =	sor.u32 s1, s0  }
0xbc: {  	s0 =	sadd.s32 $0x8F2B, s0  }
0xbd: {  	[sflag:s0] =	ssyncadd.remote.s32 $0x1  }
0xbe: {  	_ =	sfence.sel $0xFFFF  }
0xbf: {  	[dreg:$0x0] =	wrdreg $0xFFFFFFFF;
	(pc) =	sbr.abs _section_cstart, $3  }
0xc0: {  	[dreg:$0x1] =	wrdreg $0xFFFFFFFF  }
0xc1: {  	_ =	task.clear_ibuf [dreg:s7], $0x2FFFF;
	_ =	strace $0x9FFFFFFF  }
0xc2: {  	(tm) =	ssettm $0x7FFFFFFF  }
0xc3: {  	_ =	shalt  }
tec
execute0_lowered:
.L_overlay_start_1:
0x0: {  	(tag) =	ssettag $0x1  }
0x1: {  	s2 =	rddreg [dreg:$0x0]  }
0x2: {  	s7 =	rddreg [dreg:$0x1]  }
0x3: {  	s0 =	rddreg [dreg:$0x2]  }
0x4: {  	s1 =	srdreg.scid;
	_ =	strace $0x80000047;
	s4 =	simm.s32 $0x1  }
0x5: {  	s9 =	simm.s32 $0x3;
	s12 =	simm.s32 $0x0;
	s5 =	sshll.u32 s1, $0x4  }
.Ltmp0:
0x6: {  	s1 =	stileid.u32;
	s5 =	sand.u32 $0x10, s5;
	(pc) =	sbr.rel .LBB2_1-.Ltmp0, $4  }
0x7: {  	s10 =	simm.s32 $0x0;
	s3 =	sadd.s32 $0x2200, s7;
	s6 =	sor.u32 s1, s5  }
0x8: {  	[sflag:s4] =	ssyncpa.u1 $0x0;
	s5 =	simm.s32 $0x2;
	s6 =	sshll.u32 s6, $0x7  }
0x9: {  	s7 =	sadd.s32 $0x2400, s7;
	[sflag:s5] =	ssyncpa.u1 $0x0;
	s8 =	sadd.s32 $0x80, s6  }
0xa: {  	vm0 =	vmmov $0xff;
	vm1 =	vcmask $0x3F20;
	[sflag:s9] =	ssyncpa.u1 $0x0;
	s9 =	simm.s32 $0x80;
	s11 =	smov.u32 s6  }
.LBB2_10:
0xb: {  	[hbm:s16] =	stream.linear.scatter [tilespmem:s13], [sflag:$0x3], $0x800, $0x38;
	[tilespmem:$0x10100] =	vst v63  }
.LBB2_11:
0xc: {  	p0 =	seq.s32 s10, $0x2  }
.Ltmp1:
0xd: {  	_ = 	snop;
	(pc) =	sbr.rel @p0 .LBB2_13-.Ltmp1, $1  }
0xe: {  	_ =	sdelay $0x3  }
.LBB2_12:
0xf: {  	s12 =	sadd.s32 $0x80, s11  }
0x10: {  	s13 =	smov.u32 s6;
	p0 =	slt.s32 s12, s8  }
0x11: {  	s13 =	smov.u32 @p0 s12  }
0x12: {  	s10 =	sadd.s32 $0x1, s10;
	s12 =	smov.u32 s11;
	s11 =	smov.u32 s13  }
.LBB2_1:
0x13: {  	p0 =	sne.s32 s10, $0x0  }
.Ltmp2:
0x14: {  	_ = 	snop;
	(pc) =	sbr.rel @!p0 .LBB2_2-.Ltmp2, $1  }
0x15: {  	_ =	sdelay $0x3  }
0x16: {  	s13 =	sand.u32 $0x1, s10  }
0x17: {  	p0 =	seq.s32 s13, $0x0  }
.Ltmp3:
0x18: {  	_ = 	snop;
	(pc) =	sbr.rel @p0 .LBB2_11-.Ltmp3, $1  }
0x19: {  	_ =	sdelay $0x3  }
0x1a: {  	_ =	swait.ge [sflag:s5], $0x80  }
0x1b: {  	[sflag:s5] =	ssyncset.done $0x0  }
0x1c: {  	s13 =	simm.s32 $0x0;
	[sflag:s5] =	ssyncadd.s32 $0xFFFFFF80  }
.LBB2_5:
0x1d: {  	s14 =	sshll.u32 s13, $0x4  }
0x1e: {  	s14 =	sand.u32 $0x3FFFFFF0, s14  }
0x1f: {  	v0 =	vld.msk [tilespmem:s14+$0x80 ss:$0x1], $0xffff;
	_ =	sdelay $0x4  }
0x20: {  	vm2 =	vgt.s32 v0, $0x0  }
0x21: {  	v0 =	vnsel vm2, $0x0, v0  }
0x22: {  	v0 =	vmin.u32 v0, $0xFFF  }
0x23: {  	s31 =	sshll.u32 s13, $0xC;
	v1 =	vshll.u32 v0, $0x5;
	v0 =	vshll.u32 v0, $0x4  }
0x24: {  	s14 =	sand.u32 $0x3FFFF000, s31;
	v1 =	vand.u32 $0x1FF00, v1;
	v0 =	vand.u32 $0x70, v0  }
0x25: {  	p0 =	por $0x1, $0x1;
	s15 =	simm.s32 $0x0;
	s14 =	sadd.s32 $0x8100, s14;
	v0 =	vor.u32 v0, v1  }
.LBB2_6:
0x26: {  	_ =	sdelay $0x1  }
0x27: {  	s15 =	sshra.s32 s15, $0x2;
	p1 =	por p0, p0  }
.Ltmp4:
0x28: {  	s15 =	sadd.s32 s15, s14;
	(pc) =	sbr.rel @p1 .LBB2_6-.Ltmp4, $4  }
0x29: {  	[tilespmem:s15], [sflag:$0x1] =	stream.indirect_vreg.gather [hbm:s2], $0x80, v0, vm0, $0x38;
	[tilespmem:$0x10100] =	vst v63  }
0x2a: {  	s15 =	sadd.s32 $0x800, s15  }
0x2b: {  	[tilespmem:s15], [sflag:$0x1] =	stream.indirect_vreg.gather [hbm:s2], $0x80, v0, vm1, $0x38;
	[tilespmem:$0x10100] =	vst v63  }
0x2c: {  	p0 =	por $0x0, $0x0;
	v0 =	vadd.s32 $0x80, v0;
	s15 =	simm.s32 $0x1000  }
0x2d: {  	s13 =	sadd.s32 $0x1, s13  }
0x2e: {  	p0 =	sne.s32 s13, $0x8  }
.Ltmp5:
0x2f: {  	_ = 	snop;
	(pc) =	sbr.rel @p0 .LBB2_5-.Ltmp5, $1  }
0x30: {  	_ =	sdelay $0x3  }
0x31: {  	s13 =	sshll.u32 s12, $0x5  }
0x32: {  	_ =	swait.ge [sflag:s4], $0x8000;
	s31 =	sshll.u32 s12, $0x4;
	s13 =	sand.u32 $0xFFFFFF00, s13  }
0x33: {  	s14 =	simm.s32 $0x100;
	s12 =	sand.u32 $0x70, s31;
	s13 =	sadd.s32 s13, s7  }
0x34: {  	s15 =	simm.s32 $0x8900;
	[sflag:s4] =	ssyncset.done $0x0;
	s12 =	sadd.s32 s12, s13  }
0x35: {  	[sflag:s4] =	ssyncadd.s32 $0xFFFF8000;
	s13 =	simm.s32 $0x8100;
	s16 =	sadd.s32 $0x0, s12  }
.LBB2_9:
0x36: {  	[hbm:s16] =	stream.linear.scatter [tilespmem:s13], [sflag:$0x3], $0x800, $0x38;
	[tilespmem:$0x10100] =	vst v63  }
0x37: {  	s16 =	smov.u32 s14;
	s13 =	smov.u32 s15;
	p0 =	sne.s32 s14, $0xF00  }
.Ltmp6:
0x38: {  	s14 =	sadd.s32 $0x100, s14;
	(pc) =	sbr.rel @p0 .LBB2_9-.Ltmp6, $2  }
0x39: {  	_ =	sdelay $0x2  }
0x3a: {  	s15 =	sadd.s32 $0x800, s15;
	s16 =	sadd.s32 s16, s12  }
.Ltmp7:
0x3b: {  	_ = 	snop;
	(pc) =	sbr.rel .LBB2_10-.Ltmp7, $1  }
0x3c: {  	_ =	sdelay $0x3  }
.LBB2_2:
.Ltmp8:
0x3d: {  	(pc) =	sbr.rel .LBB2_12-.Ltmp8, $4  }
0x3e: {  	_ = 	snop  }
0x3f: {  	s12 =	sshrl.u32 s11, $0x3  }
0x40: {  	s13 =	sand.u32 $0x7, s11;
	s12 =	sadd.s32 s3, s12  }
0x41: {  	[tilespmem:s9], [sflag:$0x2] =	stream.linear.gather [hbm4b:s12+s13], $0x80, $0x38;
	[tilespmem:$0x10100] =	vst v63  }
.LBB2_13:
0x42: {  	s2 =	simm.s32 $0x3  }
0x43: {  	_ =	swait.ge [sflag:s2], $0x8000  }
0x44: {  	[sflag:s2] =	ssyncset.done $0x0  }
0x45: {  	[sflag:s2] =	ssyncadd.s32 $0xFFFF8000  }
0x46: {  	_ =	sfence.sel $0x180000  }
0x47: {  	s3 =	simm.s32 $0x2;
	[bflag:$0x0] =	sbarrier.arrive $0xFFFF  }
0x48: {  	[sflag:s3] =	ssyncpa.u1 $0x1  }
0x49: {  	s31 =	simm.s32 $0x1;
	[sflag:s2] =	ssyncpa.u1 $0x1  }
0x4a: {  	[sflag:s31] =	ssyncpa.u1 $0x1  }
0x4b: {  	p0 =	sne.s32 s1, $0x0;
	_ =	strace $0x90000047  }
0x4c: {  	s0 =	sadd.s32 @!p0 $0x100000, s0;
	[bflag:$0x2] =	sbarrier.arrive $0xFFFF  }
0x4d: {  	[sflag:s0] =	ssyncadd.tile.s32 @!p0 $0x1;
	_ =	shalt  }
.Lfunc_end2:
_tile_overlayer_lowered:
.L_overlay_start_2:
0x4e: {  	(tag) =	ssettag $0x2  }
0x4f: {  	s0 =	rddreg [dreg:$0x0];
	s2 =	stileid.u32  }
0x50: {  	s1 =	rddreg [dreg:$0x1];
	p0 =	sne.s32 s2, $0x0  }
0x51: {  	s3 =	rddreg [dreg:$0x2];
	[bflag:$0x3] =	sbarrier.arrive $0xFFFF;
	s2 =	simm.s32 @!p0 $0x1C01  }
0x52: {  	[timem:s3], [sflag:s2] =	dma.local @!p0 [hbm:s0], s1  }
0x53: {  	s0 =	simm.s32 @!p0 $0x1  }
0x54: {  	_ =	swait.ge @!p0 [sflag:s0], s1  }
0x55: {  	s1 =	ssub.s32 @!p0 $0x0, s1;
	[sflag:s0] =	ssyncset.done @!p0 $0x0  }
0x56: {  	[sflag:s0] =	ssyncadd.s32 @!p0 s1  }
0x57: {  	[bflag:$0x3] =	sbarrier.arrive $0xFFFF  }
0x58: {  	_ =	shalt  }

// kernel: gather_offload_async_start
scs
__scs_entry_jumppad:
0x0: {  	(pc) =	sbr.rel $0x88, $3  }
0x1: {  	(tag) =	ssettag $0x0;
	lr =	simm.s32 $0x1  }
0x2: {  	[smem:$0x3F94] =	sst lr;
	_ =	strace $0xD0000000  }
0x3: {  	_ = 	snop  }
0x4: {  	_ = 	snop  }
0x5: {  	_ = 	snop  }
0x6: {  	_ = 	snop  }
0x7: {  	_ = 	snop  }
__scs_overlays_trampoline_lowered:
0x8: {  	[smem:$0x3FA3] =	sst s0  }
0x9: {  	[smem:$0x3FA4] =	sst s1  }
0xa: {  	[smem:$0x3FA5] =	sst s2  }
0xb: {  	[smem:$0x3FA6] =	sst s3  }
0xc: {  	[smem:$0x3FA7] =	sst s4  }
0xd: {  	[smem:$0x3FA8] =	sst s5  }
0xe: {  	[smem:$0x3FA9] =	sst s6  }
0xf: {  	[smem:$0x3FAA] =	sst s7  }
0x10: {  	[smem:$0x3FAB] =	sst s8  }
0x11: {  	[smem:$0x3FAC] =	sst s9;
	s0 =	simm.s32 @!p0 $0x0  }
0x12: {  	s1 =	sld [smem:$0x3F92];
	s0 =	simm.s32 @p0 $0x1  }
0x13: {  	[smem:$0x3FAD] =	sst s0;
	s0 =	simm.s32 @!p1 $0x0  }
0x14: {  	s2 =	sld [smem:$0x3F91];
	s0 =	simm.s32 @p1 $0x1  }
0x15: {  	[smem:$0x3FAE] =	sst s0;
	s0 =	simm.s32 @!p2 $0x0  }
0x16: {  	s3 =	sld [smem:$0x3FDB];
	s0 =	simm.s32 @p2 $0x1  }
0x17: {  	s4 =	simm.s32 $0x1BF5;
	[smem:$0x3FB0] =	sst s0  }
0x18: {  	s0 =	sld [smem:$0x3F93];
	_ =	swait.ge [sflag:s4], $0x0  }
0x19: {  	s7 =	sld [smem:$0x3F94]  }
0x1a: {  	s8 =	sadd.s32 $0xFFFFE003, lr  }
0x1b: {  	s9 =	sadd.s32 $0xFFFFFEF7, lr;
	s5 =	simm.s32 $0xFFFFFFFF;
	p2 =	slt.u32 s8, $0xFFFFF086  }
0x1c: {  	p1 =	slt.u32 s9, $0xF7A;
	s5 =	simm.s32 @!p2 $0x0  }
0x1d: {  	s5 =	simm.s32 @p1 $0x1;
	p0 =	seq.s32 s7, s2  }
0x1e: {  	s7 =	smul.u32 @!p0 $0xF7A, s2;
	p2 =	seq.s32 @!p0 s5, $0x0  }
0x1f: {  	s9 =	smul.u32 $0xF7A, s1;
	s8 =	simm.s32 @!p0 $0x1BF5;
	p2 =	por !p2, p0  }
0x20: {  	[sflag:s8] =	ssyncset.s32 @!p0 $0xFFFFF086;
	s6 =	sadd.s32 @!p0 s3, s7;
	s7 =	simm.s32 @!p0 $0x108  }
0x21: {  	s3 =	sadd.s32 s3, s9;
	s6 =	sadd.s32 @!p0 $0x88, s6;
	s7 =	simm.s32 @p2 $0x1082  }
0x22: {  	[simem:s7], [sflag:s8] =	dma.local @!p0 [hbm:s6], $0xF7A  }
0x23: {  	s9 =	sor.u32 $0xD0000000, s2;
	s6 =	simm.s32 $0x108;
	_ =	swait.ge @!p0 [sflag:s8], $0x0  }
0x24: {  	s3 =	sadd.s32 $0x88, s3;
	s6 =	simm.s32 @!p1 $0x1082;
	[sflag:s4] =	ssyncset.s32 $0xFFFFF086  }
0x25: {  	[simem:s6], [sflag:s4] =	dma.local [hbm:s3], $0xF7A  }
0x26: {  	[smem:$0x3F94] =	sst s1;
	(tag) =	ssettag s2;
	_ =	strace s9  }
0x27: {  	s1 =	sld [smem:$0x3FA4]  }
0x28: {  	s2 =	sld [smem:$0x3FA5]  }
0x29: {  	s4 =	sld [smem:$0x3FA7]  }
0x2a: {  	p0 =	seq.s32 s5, $0x0;
	s5 =	sld [smem:$0x3FA8]  }
0x2b: {  	s6 =	sld [smem:$0x3FA9]  }
0x2c: {  	s7 =	sld [smem:$0x3FAA]  }
0x2d: {  	s3 =	simm.s32 $0x108;
	s8 =	sld [smem:$0x3FAB]  }
0x2e: {  	s3 =	simm.s32 @!p0 $0x1082;
	s9 =	sld [smem:$0x3FAC]  }
0x2f: {  	lr =	sadd.s32 s0, s3;
	s0 =	sld [smem:$0x3FA3]  }
0x30: {  	s3 =	sld [smem:$0x3FA6]  }
0x31: {  	[smem:$0x3FAF] =	sst s10  }
0x32: {  	s10 =	sld [smem:$0x3FAD];
	_ =	sdelay $0x3  }
0x33: {  	p0 =	seq.s32 s10, $0x1;
	s10 =	sld [smem:$0x3FAF];
	_ =	sdelay $0x3  }
0x34: {  	[smem:$0x3FAF] =	sst s10  }
0x35: {  	s10 =	sld [smem:$0x3FAE];
	_ =	sdelay $0x3  }
0x36: {  	p1 =	seq.s32 s10, $0x1;
	s10 =	sld [smem:$0x3FAF];
	_ =	sdelay $0x3  }
0x37: {  	[smem:$0x3FAF] =	sst s10  }
0x38: {  	s10 =	sld [smem:$0x3FB0]  }
0x39: {  	_ = 	snop;
	(pc) =	sbr.ind lr, $3  }
0x3a: {  	_ = 	snop  }
0x3b: {  	_ = 	snop  }
0x3c: {  	p2 =	seq.s32 s10, $0x1;
	s10 =	sld [smem:$0x3FAF]  }
0x3d: {  	_ =	shalt  }
0x3e: {  	_ =	shalt  }
0x3f: {  	_ =	shalt  }
0x40: {  	_ =	shalt  }
0x41: {  	_ =	shalt  }
0x42: {  	_ =	shalt  }
0x43: {  	_ =	shalt  }
0x44: {  	_ =	shalt  }
0x45: {  	_ =	shalt  }
0x46: {  	_ =	shalt  }
0x47: {  	_ =	shalt  }
0x48: {  	_ =	shalt  }
0x49: {  	_ =	shalt  }
0x4a: {  	_ =	shalt  }
0x4b: {  	_ =	shalt  }
0x4c: {  	_ =	shalt  }
0x4d: {  	_ =	shalt  }
0x4e: {  	_ =	shalt  }
0x4f: {  	_ =	shalt  }
0x50: {  	_ =	shalt  }
0x51: {  	_ =	shalt  }
0x52: {  	_ =	shalt  }
0x53: {  	_ =	shalt  }
0x54: {  	_ =	shalt  }
0x55: {  	_ =	shalt  }
0x56: {  	_ =	shalt  }
0x57: {  	_ =	shalt  }
0x58: {  	_ =	shalt  }
0x59: {  	_ =	shalt  }
0x5a: {  	_ =	shalt  }
0x5b: {  	_ =	shalt  }
0x5c: {  	_ =	shalt  }
0x5d: {  	_ =	shalt  }
0x5e: {  	_ =	shalt  }
0x5f: {  	_ =	shalt  }
0x60: {  	_ =	shalt  }
0x61: {  	_ =	shalt  }
0x62: {  	_ =	shalt  }
0x63: {  	_ =	shalt  }
0x64: {  	_ =	shalt  }
0x65: {  	_ =	shalt  }
0x66: {  	_ =	shalt  }
0x67: {  	_ =	shalt  }
0x68: {  	_ =	shalt  }
0x69: {  	_ =	shalt  }
0x6a: {  	_ =	shalt  }
0x6b: {  	_ =	shalt  }
0x6c: {  	_ =	shalt  }
0x6d: {  	_ =	shalt  }
0x6e: {  	_ =	shalt  }
0x6f: {  	_ =	shalt  }
0x70: {  	_ =	shalt  }
0x71: {  	_ =	shalt  }
0x72: {  	_ =	shalt  }
0x73: {  	_ =	shalt  }
0x74: {  	_ =	shalt  }
0x75: {  	_ =	shalt  }
0x76: {  	_ =	shalt  }
0x77: {  	_ =	shalt  }
0x78: {  	_ =	shalt  }
0x79: {  	_ =	shalt  }
0x7a: {  	_ =	shalt  }
0x7b: {  	_ =	shalt  }
0x7c: {  	_ =	shalt  }
0x7d: {  	_ =	shalt  }
0x7e: {  	_ =	shalt  }
0x7f: {  	_ =	shalt  }
0x80: {  	_ =	shalt  }
0x81: {  	_ =	shalt  }
0x82: {  	_ =	shalt  }
0x83: {  	_ =	shalt  }
0x84: {  	_ =	shalt  }
0x85: {  	_ =	shalt  }
0x86: {  	_ =	shalt  }
0x87: {  	_ =	shalt  }
.Lfunc_end0:
.L_simem_size_0:
called_computation_lowered:
.L_overlay_start_0:
0x88: {  	s2 =	sld [smem:$0x3FD9]  }
0x89: {  	s3 =	sld [smem:$0x3FFE];
	_ =	sdelay $0x1  }
0x8a: {  	s1 =	srdreg.scid  }
0x8b: {  	s0 =	sand.u32 $0x1, s1  }
0x8c: {  	s17 =	sshll.u32 s0, $0xA;
	s2 =	sadd.s32 s3, s2  }
0x8d: {  	s2 =	sadd.s32 s2, s17  }
0x8e: {  	[smem:$0x3FBB] =	sst s2  }
0x8f: {  	_ = 	snop  }
0x90: {  	s4 =	sld [smem:$0x3FC8]  }
0x91: {  	s18 =	sld [smem:$0x3FD0];
	(tm) =	ssettm $0x1  }
0x92: {  	s19 =	sld [smem:$0x3FFB];
	_ =	sdelay $0x3  }
0x93: {  	_ =	strace s19  }
0x94: {  	s2 =	sld [smem:$0x3FFC];
	_ =	sdelay $0x3  }
0x95: {  	_ =	strace s2  }
0x96: {  	s2 =	sld [smem:$0x3FFD];
	_ =	sdelay $0x3  }
0x97: {  	_ =	strace s2  }
0x98: {  	_ =	strace $0x8FFFFFFF  }
0x99: {  	s20 =	sld [smem:$0x3FDB];
	_ =	sdelay $0x1  }
0x9a: {  	s5 =	simm.s32 $_scs_section_size  }
0x9b: {  	s6 =	simm.s32 $_size__tile_overlayer_lowered;
	s7 =	simm.s32 $_tile_overlayer_lowered  }
0x9c: {  	s8 =	simm.s32 $0x1BFF;
	s21 =	sshll.u32 s7, $0x1;
	s5 =	sadd.s32 s5, s20  }
0x9d: {  	s22 =	simm.s32 $0x0;
	s6 =	sshll.u32 s6, $0x1;
	s7 =	sadd.s32 s21, s5  }
0x9e: {  	[timem:s22], [sflag:s8] =	dma.local [hbm:s7], s6  }
0x9f: {  	_ =	swait.ge [sflag:s8], s6  }
0xa0: {  	s6 =	ssub.s32 $0x0, s6;
	[sflag:s8] =	ssyncset.done $0x0  }
0xa1: {  	[sflag:s8] =	ssyncadd.s32 s6;
	_ =	sdelay $0x1  }
0xa2: {  	s23 =	simm.s32 $0x1B8B  }
0xa3: {  	_ =	swait.ge [sflag:s23], $0x1  }
0xa4: {  	[sflag:s23] =	ssyncset.done $0x0  }
0xa5: {  	[sflag:s23] =	ssyncadd.s32 $0xFFFFFFFF  }
0xa6: {  	s6 =	sld [smem:$0x0]  }
0xa7: {  	s7 =	sand.u32 $0xFFFFFFFE, s1  }
0xa8: {  	p0 =	sne.s32 s1, s7  }
0xa9: {  	s7 =	sshll.u32 @p0 s7, $0xE  }
0xaa: {  	s7 =	sadd.s32 @p0 $0x11B8D, s7;
	s8 =	sshll.u32 @p0 s6, $0x11  }
0xab: {  	s7 =	sor.u32 @p0 s8, s7  }
0xac: {  	[sflag:s7] =	ssyncadd.remote.s32 @p0 $0x1;
	_ =	sdelay $0x1  }
0xad: {  	s7 =	simm.s32 @p0 $0x1B8D  }
0xae: {  	_ =	swait.eq @p0 [sflag:s7], $0x1  }
0xaf: {  	[sflag:s7] =	ssyncadd.s32 @p0 $0xFFFFFFFF  }
0xb0: {  	s8 =	sshll.u32 @!p0 s1, $0xE  }
0xb1: {  	s8 =	sor.u32 @!p0 $0x4000, s8;
	s7 =	simm.s32 @!p0 $0x1B8D  }
0xb2: {  	s6 =	sshll.u32 @!p0 s6, $0x11;
	s8 =	sadd.s32 @!p0 $0x11B8D, s8;
	_ =	swait.eq @!p0 [sflag:s7], $0x1  }
0xb3: {  	s6 =	sor.u32 @!p0 s6, s8;
	[sflag:s7] =	ssyncadd.s32 @!p0 $0xFFFFFFFF  }
0xb4: {  	s25 =	simm.s32 $0x1B8E;
	s24 =	sld [smem:$0x3FFE];
	[sflag:s6] =	ssyncadd.remote.s32 @!p0 $0x1  }
0xb5: {  	s26 =	simm.s32 $execute0_lowered;
	[smem:$0x3FD2] =	sst s25  }
0xb6: {  	s7 =	sshll.u32 s26, $0x1;
	_ =	strace $0x80000049;
	[dreg:$0x1] =	wrdreg $0xFFFFFFFF  }
0xb7: {  	s28 =	simm.s32 $_size_execute0_lowered;
	s5 =	sadd.s32 s5, s7;
	[dreg:$0x0] =	wrdreg $0x0  }
0xb8: {  	s7 =	sshll.u32 s28, $0x1;
	[dreg:$0x2] =	wrdreg s5  }
0xb9: {  	[dreg:$0x3] =	wrdreg s7  }
0xba: {  	[dreg:$0x4] =	wrdreg $0xC0  }
0xbb: {  	_ =	task [dreg:s22], $0x5FFFF  }
0xbc: {  	[dreg:$0x1] =	wrdreg $0xFFFFFFFF  }
0xbd: {  	[dreg:$0x0] =	wrdreg $0x60  }
0xbe: {  	[dreg:$0x2] =	wrdreg s4  }
0xbf: {  	[dreg:$0x3] =	wrdreg s24  }
0xc0: {  	[dreg:$0x4] =	wrdreg s18  }
0xc1: {  	[dreg:$0x5] =	wrdreg $0x9  }
0xc2: {  	_ =	task.clear_ibuf [dreg:s22], $0x6FFFF;
	_ =	strace $0x90000049  }
0xc3: {  	s29 =	simm.s32 $0x9;
	_ =	strace $0x8000004B  }
0xc4: {  	_ =	swait.ge [sflag:s29], $0x1  }
0xc5: {  	[sflag:s29] =	ssyncadd.s32 $0xFFFFFFFF  }
0xc6: {  	_ =	strace $0x9000004B  }
0xc7: {  	_ =	sfence  }
0xc8: {  	s30 =	sld [smem:$0x0];
	_ =	sdelay $0x2  }
0xc9: {  	s31 =	sshll.u32 s1, $0xD;
	s1 =	sshrl.u32 s1, $0x2  }
0xca: {  	s4 =	sand.u32 $0x4000, s31;
	s1 =	sadd.s32 s1, s30  }
0xcb: {  	s0 =	sor.u32 s4, s0;
	s1 =	sshll.u32 s1, $0x11  }
0xcc: {  	s0 =	sor.u32 s1, s0  }
0xcd: {  	s0 =	sadd.s32 $0x8F2B, s0  }
0xce: {  	[sflag:s0] =	ssyncadd.remote.s32 $0x1  }
0xcf: {  	_ =	sfence.sel $0xFFFF  }
0xd0: {  	[dreg:$0x0] =	wrdreg $0xFFFFFFFF;
	(pc) =	sbr.abs _section_cstart, $3  }
0xd1: {  	[dreg:$0x1] =	wrdreg $0xFFFFFFFF  }
0xd2: {  	_ =	task.clear_ibuf [dreg:s22], $0x2FFFF;
	_ =	strace $0x9FFFFFFF  }
0xd3: {  	(tm) =	ssettm $0x7FFFFFFF  }
tec
execute0_lowered:
.L_overlay_start_1:
0x0: {  	(tag) =	ssettag $0x1  }
0x1: {  	s2 =	rddreg [dreg:$0x0]  }
0x2: {  	s7 =	rddreg [dreg:$0x1]  }
0x3: {  	s3 =	rddreg [dreg:$0x2]  }
0x4: {  	s0 =	rddreg [dreg:$0x3];
	s1 =	srdreg.scid;
	_ =	strace $0x8000004A  }
0x5: {  	s4 =	simm.s32 $0x1;
	s9 =	simm.s32 $0x3;
	s5 =	sshll.u32 s1, $0x4  }
.Ltmp0:
0x6: {  	s1 =	stileid.u32;
	s5 =	sand.u32 $0x10, s5;
	(pc) =	sbr.rel .LBB2_1-.Ltmp0, $4  }
0x7: {  	s12 =	simm.s32 $0x0;
	s10 =	simm.s32 $0x0;
	s6 =	sor.u32 s1, s5  }
0x8: {  	[sflag:s4] =	ssyncpa.u1 $0x0;
	s5 =	simm.s32 $0x2;
	s6 =	sshll.u32 s6, $0x7  }
0x9: {  	s7 =	sadd.s32 $0x2200, s7;
	[sflag:s5] =	ssyncpa.u1 $0x0;
	s8 =	sadd.s32 $0x80, s6  }
0xa: {  	vm0 =	vmmov $0xff;
	vm1 =	vcmask $0x3F20;
	[sflag:s9] =	ssyncpa.u1 $0x0;
	s9 =	simm.s32 $0x80;
	s11 =	smov.u32 s6  }
.LBB2_10:
0xb: {  	[hbm:s16] =	stream.linear.scatter [tilespmem:s13], [sflag:$0x3], $0x800, $0x38;
	[tilespmem:$0x10100] =	vst v63  }
.LBB2_11:
0xc: {  	p0 =	seq.s32 s10, $0x2  }
.Ltmp1:
0xd: {  	_ = 	snop;
	(pc) =	sbr.rel @p0 .LBB2_13-.Ltmp1, $1  }
0xe: {  	_ =	sdelay $0x3  }
.LBB2_12:
0xf: {  	s12 =	sadd.s32 $0x80, s11  }
0x10: {  	s13 =	smov.u32 s6;
	p0 =	slt.s32 s12, s8  }
0x11: {  	s13 =	smov.u32 @p0 s12  }
0x12: {  	s10 =	sadd.s32 $0x1, s10;
	s12 =	smov.u32 s11;
	s11 =	smov.u32 s13  }
.LBB2_1:
0x13: {  	p0 =	sne.s32 s10, $0x0  }
.Ltmp2:
0x14: {  	_ = 	snop;
	(pc) =	sbr.rel @!p0 .LBB2_2-.Ltmp2, $1  }
0x15: {  	_ =	sdelay $0x3  }
0x16: {  	s13 =	sand.u32 $0x1, s10  }
0x17: {  	p0 =	seq.s32 s13, $0x0  }
.Ltmp3:
0x18: {  	_ = 	snop;
	(pc) =	sbr.rel @p0 .LBB2_11-.Ltmp3, $1  }
0x19: {  	_ =	sdelay $0x3  }
0x1a: {  	_ =	swait.ge [sflag:s5], $0x80  }
0x1b: {  	[sflag:s5] =	ssyncset.done $0x0  }
0x1c: {  	s13 =	simm.s32 $0x0;
	[sflag:s5] =	ssyncadd.s32 $0xFFFFFF80  }
.LBB2_5:
0x1d: {  	s14 =	sshll.u32 s13, $0x4  }
0x1e: {  	s14 =	sand.u32 $0x3FFFFFF0, s14  }
0x1f: {  	v0 =	vld.msk [tilespmem:s14+$0x80 ss:$0x1], $0xffff;
	_ =	sdelay $0x4  }
0x20: {  	vm2 =	vgt.s32 v0, $0x0  }
0x21: {  	v0 =	vnsel vm2, $0x0, v0  }
0x22: {  	v0 =	vmin.u32 v0, $0xFFF  }
0x23: {  	s31 =	sshll.u32 s13, $0xC;
	v1 =	vshll.u32 v0, $0x5;
	v0 =	vshll.u32 v0, $0x4  }
0x24: {  	s14 =	sand.u32 $0x3FFFF000, s31;
	v1 =	vand.u32 $0x1FF00, v1;
	v0 =	vand.u32 $0x70, v0  }
0x25: {  	p0 =	por $0x1, $0x1;
	s15 =	simm.s32 $0x0;
	s14 =	sadd.s32 $0x8100, s14;
	v0 =	vor.u32 v0, v1  }
.LBB2_6:
0x26: {  	_ =	sdelay $0x1  }
0x27: {  	s15 =	sshra.s32 s15, $0x2;
	p1 =	por p0, p0  }
.Ltmp4:
0x28: {  	s15 =	sadd.s32 s15, s14;
	(pc) =	sbr.rel @p1 .LBB2_6-.Ltmp4, $4  }
0x29: {  	[tilespmem:s15], [sflag:$0x1] =	stream.indirect_vreg.gather [hbm:s2], $0x80, v0, vm0, $0x38;
	[tilespmem:$0x10100] =	vst v63  }
0x2a: {  	s15 =	sadd.s32 $0x800, s15  }
0x2b: {  	[tilespmem:s15], [sflag:$0x1] =	stream.indirect_vreg.gather [hbm:s2], $0x80, v0, vm1, $0x38;
	[tilespmem:$0x10100] =	vst v63  }
0x2c: {  	p0 =	por $0x0, $0x0;
	v0 =	vadd.s32 $0x80, v0;
	s15 =	simm.s32 $0x1000  }
0x2d: {  	s13 =	sadd.s32 $0x1, s13  }
0x2e: {  	p0 =	sne.s32 s13, $0x8  }
.Ltmp5:
0x2f: {  	_ = 	snop;
	(pc) =	sbr.rel @p0 .LBB2_5-.Ltmp5, $1  }
0x30: {  	_ =	sdelay $0x3  }
0x31: {  	s13 =	sshll.u32 s12, $0x5  }
0x32: {  	_ =	swait.ge [sflag:s4], $0x8000;
	s31 =	sshll.u32 s12, $0x4;
	s13 =	sand.u32 $0xFFFFFF00, s13  }
0x33: {  	s14 =	simm.s32 $0x100;
	s12 =	sand.u32 $0x70, s31;
	s13 =	sadd.s32 s13, s3  }
0x34: {  	s15 =	simm.s32 $0x8900;
	[sflag:s4] =	ssyncset.done $0x0;
	s12 =	sadd.s32 s12, s13  }
0x35: {  	[sflag:s4] =	ssyncadd.s32 $0xFFFF8000;
	s13 =	simm.s32 $0x8100;
	s16 =	sadd.s32 $0x0, s12  }
.LBB2_9:
0x36: {  	[hbm:s16] =	stream.linear.scatter [tilespmem:s13], [sflag:$0x3], $0x800, $0x38;
	[tilespmem:$0x10100] =	vst v63  }
0x37: {  	s16 =	smov.u32 s14;
	s13 =	smov.u32 s15;
	p0 =	sne.s32 s14, $0xF00  }
.Ltmp6:
0x38: {  	s14 =	sadd.s32 $0x100, s14;
	(pc) =	sbr.rel @p0 .LBB2_9-.Ltmp6, $2  }
0x39: {  	_ =	sdelay $0x2  }
0x3a: {  	s15 =	sadd.s32 $0x800, s15;
	s16 =	sadd.s32 s16, s12  }
.Ltmp7:
0x3b: {  	_ = 	snop;
	(pc) =	sbr.rel .LBB2_10-.Ltmp7, $1  }
0x3c: {  	_ =	sdelay $0x3  }
.LBB2_2:
.Ltmp8:
0x3d: {  	(pc) =	sbr.rel .LBB2_12-.Ltmp8, $4  }
0x3e: {  	_ = 	snop  }
0x3f: {  	s12 =	sshrl.u32 s11, $0x3  }
0x40: {  	s13 =	sand.u32 $0x7, s11;
	s12 =	sadd.s32 s7, s12  }
0x41: {  	[tilespmem:s9], [sflag:$0x2] =	stream.linear.gather [hbm4b:s12+s13], $0x80, $0x38;
	[tilespmem:$0x10100] =	vst v63  }
.LBB2_13:
0x42: {  	s2 =	simm.s32 $0x3  }
0x43: {  	_ =	swait.ge [sflag:s2], $0x8000  }
0x44: {  	[sflag:s2] =	ssyncset.done $0x0  }
0x45: {  	[sflag:s2] =	ssyncadd.s32 $0xFFFF8000  }
0x46: {  	_ =	sfence.sel $0x180000  }
0x47: {  	s3 =	simm.s32 $0x2;
	[bflag:$0x0] =	sbarrier.arrive $0xFFFF  }
0x48: {  	[sflag:s3] =	ssyncpa.u1 $0x1  }
0x49: {  	s31 =	simm.s32 $0x1;
	[sflag:s2] =	ssyncpa.u1 $0x1  }
0x4a: {  	[sflag:s31] =	ssyncpa.u1 $0x1  }
0x4b: {  	p0 =	sne.s32 s1, $0x0;
	_ =	strace $0x9000004A  }
0x4c: {  	s0 =	sadd.s32 @!p0 $0x100000, s0;
	[bflag:$0x2] =	sbarrier.arrive $0xFFFF  }
0x4d: {  	[sflag:s0] =	ssyncadd.tile.s32 @!p0 $0x1;
	_ =	shalt  }
.Lfunc_end2:
_tile_overlayer_lowered:
.L_overlay_start_2:
0x4e: {  	(tag) =	ssettag $0x2  }
0x4f: {  	s0 =	rddreg [dreg:$0x0];
	s2 =	stileid.u32  }
0x50: {  	s1 =	rddreg [dreg:$0x1];
	p0 =	sne.s32 s2, $0x0  }
0x51: {  	s3 =	rddreg [dreg:$0x2];
	[bflag:$0x3] =	sbarrier.arrive $0xFFFF;
	s2 =	simm.s32 @!p0 $0x1C01  }
0x52: {  	[timem:s3], [sflag:s2] =	dma.local @!p0 [hbm:s0], s1  }
0x53: {  	s0 =	simm.s32 @!p0 $0x1  }
0x54: {  	_ =	swait.ge @!p0 [sflag:s0], s1  }
0x55: {  	s1 =	ssub.s32 @!p0 $0x0, s1;
	[sflag:s0] =	ssyncset.done @!p0 $0x0  }
0x56: {  	[sflag:s0] =	ssyncadd.s32 @!p0 s1  }
0x57: {  	[bflag:$0x3] =	sbarrier.arrive $0xFFFF  }
0x58: {  	_ =	shalt  }

</sc_bundles>
